<compile_context>
chip_gen: v7x
topology: tpu7x:2x2x1
jax: 0.10.2.dev20260603
libtpu: 0.0.44.dev20260713+nightly
codegen_flags: <defaults>
</compile_context>

<pallas_src>
import functools

import jax
import jax.numpy as jnp
from jax import lax
from jax.experimental import pallas as pl
from jax.experimental.pallas import tpu as pltpu
from jax.experimental.pallas import tpu_sc as plsc

N_NODES = 10000
N_EDGES = 320000
D = 128

NC = 2
NS = 16
NW = NC * NS
EPW = N_EDGES // NW
CHUNK = 80
NCHUNK = EPW // CHUNK
SUB_ROWS = 624
TAIL_BASE = NS * SUB_ROWS
TAIL_ROWS = N_NODES - TAIL_BASE
ZROWS = 16


def _prescale_body(h_ref, n_ref, o_ref):
    o_ref[...] = h_ref[...] * n_ref[...]


def _finish_body(p_ref, w_ref, n_ref, o_ref):
    agg = p_ref[0] + p_ref[1]
    mm = jnp.dot(agg, w_ref[...], preferred_element_type=jnp.float32)
    o_ref[...] = jnp.maximum(mm * n_ref[...], 0.0)


def _agg_body(hn_hbm, src_hbm, dst_hbm, out_hbm,
              src_v, dst_v, rows_v, zbuf, acc, sem):
    c = lax.axis_index("c")
    s = lax.axis_index("s")
    wid = c * NS + s

    def zstore(i, carry):
        zbuf[i // 8, pl.ds((i % 8) * 16, 16)] = jnp.zeros((16,), jnp.float32)
        return carry
    lax.fori_loop(0, ZROWS * 8, zstore, 0)

    def zcopy(k, carry):
        pltpu.sync_copy(zbuf, acc.at[pl.ds(s * SUB_ROWS + k * ZROWS, ZROWS)])
        return carry
    lax.fori_loop(0, SUB_ROWS // ZROWS, zcopy, 0)

    @pl.when(s == NS - 1)
    def _():
        pltpu.sync_copy(zbuf, acc.at[pl.ds(TAIL_BASE, TAIL_ROWS)])
    plsc.subcore_barrier()

    pltpu.sync_copy(src_hbm.at[pl.ds(wid * EPW, EPW)], src_v)

    def body(k, carry):
        base = k * CHUNK
        pltpu.sync_copy(dst_hbm.at[pl.ds(wid * EPW + base, CHUNK)], dst_v)
        pltpu.async_copy(hn_hbm.at[src_v.at[pl.ds(base, CHUNK)]], rows_v,
                         sem).wait()
        pltpu.sync_copy(rows_v, acc.at[dst_v], add=True)
        return carry
    lax.fori_loop(0, NCHUNK, body, 0)

    plsc.subcore_barrier()
    pltpu.sync_copy(acc.at[pl.ds(s * SUB_ROWS, SUB_ROWS)],
                    out_hbm.at[c, pl.ds(s * SUB_ROWS, SUB_ROWS)])

    @pl.when(s == NS - 1)
    def _():
        pltpu.sync_copy(acc.at[pl.ds(TAIL_BASE, TAIL_ROWS)],
                        out_hbm.at[c, pl.ds(TAIL_BASE, TAIL_ROWS)])


_agg = functools.partial(
    pl.kernel,
    mesh=plsc.VectorSubcoreMesh(core_axis_name="c", subcore_axis_name="s"),
    out_type=jax.ShapeDtypeStruct((NC, N_NODES, D), jnp.float32),
    scratch_types=[
        pltpu.VMEM((EPW,), jnp.int32),
        pltpu.VMEM((CHUNK,), jnp.int32),
        pltpu.VMEM((CHUNK, D), jnp.float32),
        pltpu.VMEM((ZROWS, D), jnp.float32),
        pltpu.VMEM_SHARED((N_NODES, D), jnp.float32),
        pltpu.SemaphoreType.DMA,
    ],
)(_agg_body)


def kernel(h, edge_index, W, norm):
    src = edge_index[0].astype(jnp.int32)
    dst = edge_index[1].astype(jnp.int32)

    hn = pl.pallas_call(
        _prescale_body,
        out_shape=jax.ShapeDtypeStruct((N_NODES, D), jnp.float32),
    )(h, norm)

    partials = _agg(hn, src, dst)

    out = pl.pallas_call(
        _finish_body,
        out_shape=jax.ShapeDtypeStruct((N_NODES, D), jnp.float32),
    )(partials, W, norm)
    return out

# --- scband reference (transcript-rebuilt; emitter-appended) ---
"""Pipeline reference for scband-gcnlayer-8581344658001 (READ-ONLY COPY).

The authoritative reference and input builder live on the scoring server;
editing this copy changes nothing except your own understanding.
"""

import jax, jax.numpy as jnp
import numpy as np

N_NODES = 10000
N_EDGES = 320000
D_FEAT = 128

def setup_inputs(seed: int = 0) -> dict:
    key = jax.random.key(seed)
    k1, k2, k3, k4 = jax.random.split(key, 4)
    h = jax.random.normal(k1, (N_NODES, D_FEAT), dtype=jnp.float32)
    src = jax.random.randint(k2, (N_EDGES,), 0, N_NODES)
    dst = jax.random.randint(k3, (N_EDGES,), 0, N_NODES)
    edge_index = jnp.stack([src, dst]).astype(jnp.int64)
    # GCN weight, uniform(-stdv, stdv) like reset_parameters
    stdv = 1.0 / np.sqrt(D_FEAT)
    W = jax.random.uniform(k4, (D_FEAT, D_FEAT), dtype=jnp.float32, minval=-stdv, maxval=stdv)
    # symmetric-ish GCN norm: 1/sqrt(in_degree), clamped at >=1 to avoid div by zero
    deg = jnp.bincount(dst, length=N_NODES).astype(jnp.float32)
    norm = (1.0 / jnp.sqrt(jnp.maximum(deg, 1.0)))[:, None]
    return {"h": h, "edge_index": edge_index, "W": W, "norm": norm}

def reference(h, edge_index, W, norm):
    # dropout = 0.0 -> no-op
    hh = h @ W
    hh = hh * norm  # pre-normalize (g.ndata['norm'])
    src = edge_index[0]
    dst = edge_index[1]
    # update_all(copy_src -> sum): gather messages from src, scatter-add into dst
    msgs = jnp.take(hh, src, axis=0)
    agg = jax.ops.segment_sum(msgs, dst, num_segments=h.shape[0])
    out = agg * norm  # post-normalize
    out = jax.nn.relu(out)  # activation
    return out

if __name__ == "__main__":
    import jax
    _d = setup_inputs()
    print(jax.jit(kernel)(*tuple(_d.values())))

</pallas_src>

<mosaic_0001>
#map = affine_map<(d0, d1) -> (0, 0)>
#map1 = affine_map<(d0, d1) -> (0)>
#map2 = affine_map<(d0, d1) -> (0, 0, 0)>
module attributes {stable_mosaic.version = 14 : i64} {
  func.func @_agg_body(%arg0: i32, %arg1: i32, %arg2: memref<10000x128xf32, #tpu.memory_space<hbm>>, %arg3: memref<320000xi32, #tpu.memory_space<hbm>>, %arg4: memref<320000xi32, #tpu.memory_space<hbm>>, %arg5: memref<2x10000x128xf32, #tpu.memory_space<hbm>>, %arg6: memref<10000xi32, #tpu.memory_space<vmem>>, %arg7: memref<80xi32, #tpu.memory_space<vmem>>, %arg8: memref<80x128xf32, #tpu.memory_space<vmem>>, %arg9: memref<16x128xf32, #tpu.memory_space<vmem>>, %arg10: memref<10000x128xf32, #tpu.memory_space<vmem_shared>>, %arg11: memref<!tpu.dma_semaphore, #tpu.memory_space<semaphore_mem>>) attributes {dimension_semantics = [#tpu.dimension_semantics<core_parallel>, #tpu.dimension_semantics<subcore_parallel>], iteration_bounds = array<i64: 2, 16>, scalar_prefetch = 0 : i64, scratch_operands = 6 : i64, tpu.core_type = #tpu.core_type<sc_vector_subcore>, window_params = [{transform_indices = #map}, {transform_indices = #map1}, {transform_indices = #map1}, {transform_indices = #map2}]} {
    %mul3A = arith.constant 16 : i32
    %mul3A_0 = arith.muli %arg0, %mul3A : i32
    %add3A = arith.addi %mul3A_0, %arg1 : i32
    %scan3A = arith.constant 0 : i32
    %scan3A_1 = arith.constant 0 : i32
    %scan3A_2 = arith.constant 128 : i32
    %scan3A_3 = arith.addi %scan3A_1, %scan3A_2 : i32
    %scan3A_4 = arith.constant 1 : i32
    scf.for %scan3A_32 = %scan3A_1 to %scan3A_3 step %scan3A_4  : i32 {
      %broadcast_in_dim3A = arith.constant 0.000000e+00 : f32
      %broadcast_in_dim3A_33 = vector.broadcast %broadcast_in_dim3A : f32 to vector<16xf32>
      %jit3A = arith.constant 8 : i32
      %div3A = arith.divsi %scan3A_32, %jit3A : i32
      %sign3A = arith.constant 0 : i32
      %sign3A_34 = arith.cmpi sgt, %scan3A_32, %sign3A : i32
      %sign3A_35 = arith.extui %sign3A_34 : i1 to i32
      %sign3A_36 = arith.constant 0 : i32
      %sign3A_37 = arith.cmpi slt, %scan3A_32, %sign3A_36 : i32
      %sign3A_38 = arith.extui %sign3A_37 : i1 to i32
      %sign3A_39 = arith.subi %sign3A_35, %sign3A_38 : i32
      %sign3A_40 = arith.constant 0 : i32
      %sign3A_41 = arith.cmpi sgt, %jit3A, %sign3A_40 : i32
      %sign3A_42 = arith.extui %sign3A_41 : i1 to i32
      %sign3A_43 = arith.constant 0 : i32
      %sign3A_44 = arith.cmpi slt, %jit3A, %sign3A_43 : i32
      %sign3A_45 = arith.extui %sign3A_44 : i1 to i32
      %sign3A_46 = arith.subi %sign3A_42, %sign3A_45 : i32
      %ne3A = arith.cmpi ne, %sign3A_39, %sign3A_46 : i32
      %rem3A = arith.remsi %scan3A_32, %jit3A : i32
      %ne3A_47 = arith.constant 0 : i32
      %ne3A_48 = arith.cmpi ne, %rem3A, %ne3A_47 : i32
      %and3A = arith.andi %ne3A, %ne3A_48 : i1
      %sub3A = arith.constant 1 : i32
      %sub3A_49 = arith.subi %div3A, %sub3A : i32
      %select_n3A = arith.select %and3A, %sub3A_49, %div3A : i32
      %jit3A_50 = arith.constant 8 : i32
      %eq3A_51 = arith.constant 0 : i32
      %eq3A_52 = arith.cmpi eq, %jit3A_50, %eq3A_51 : i32
      %jit3A_53 = arith.constant 1 : i32
      %select_n3A_54 = arith.select %eq3A_52, %jit3A_53, %jit3A_50 : i32
      %rem3A_55 = arith.remsi %scan3A_32, %select_n3A_54 : i32
      %ne3A_56 = arith.constant 0 : i32
      %ne3A_57 = arith.cmpi ne, %rem3A_55, %ne3A_56 : i32
      %lt3A = arith.constant 0 : i32
      %lt3A_58 = arith.cmpi slt, %rem3A_55, %lt3A : i32
      %lt3A_59 = arith.constant 0 : i32
      %lt3A_60 = arith.cmpi slt, %select_n3A_54, %lt3A_59 : i32
      %ne3A_61 = arith.xori %lt3A_58, %lt3A_60 : i1
      %and3A_62 = arith.andi %ne3A_61, %ne3A_57 : i1
      %add3A_63 = arith.addi %rem3A_55, %select_n3A_54 : i32
      %select_n3A_64 = arith.select %and3A_62, %add3A_63, %rem3A_55 : i32
      %mul3A_65 = arith.constant 16 : i32
      %mul3A_66 = arith.muli %select_n3A_64, %mul3A_65 : i32
      %swap3A = arith.index_cast %select_n3A : i32 to index
      %swap3A_67 = arith.index_cast %mul3A_66 : i32 to index
      %swap3A_68 = tpu.vector_load %arg9[%swap3A, %swap3A_67] {strides = array<i32>} : memref<16x128xf32, #tpu.memory_space<vmem>>, vector<1x16xf32>,
      %swap3A_69 = vector.shape_cast %swap3A_68 : vector<1x16xf32> to vector<16xf32>
      %swap3A_70 = vector.shape_cast %broadcast_in_dim3A_33 : vector<16xf32> to vector<1x16xf32>
      tpu.vector_store %arg9[%swap3A, %swap3A_67], %swap3A_70 {strides = array<i32>} : memref<16x128xf32, #tpu.memory_space<vmem>>, vector<1x16xf32>,
    }
    %scan3A_5 = arith.constant 128 : i32
    %scan3A_6 = arith.constant 0 : i32
    %scan3A_7 = arith.constant 0 : i32
    %scan3A_8 = arith.constant 39 : i32
    %scan3A_9 = arith.addi %scan3A_7, %scan3A_8 : i32
    %scan3A_10 = arith.constant 1 : i32
    scf.for %scan3A_32 = %scan3A_7 to %scan3A_9 step %scan3A_10  : i32 {
      %mul3A_33 = arith.constant 624 : i32
      %mul3A_34 = arith.muli %arg1, %mul3A_33 : i32
      %mul3A_35 = arith.constant 16 : i32
      %mul3A_36 = arith.muli %scan3A_32, %mul3A_35 : i32
      %add3A_37 = arith.addi %mul3A_34, %mul3A_36 : i32
      "tpu.region"() ({
        %run_scoped3A = tpu.sem_alloc : memref<!tpu.dma_semaphore, #tpu.memory_space<semaphore_mem>>
        %dma_start3A = arith.constant 0 : i32
        %dma_start3A_38 = tpu.memref_slice %arg10[%add3A_37, %dma_start3A] : memref<10000x128xf32, #tpu.memory_space<vmem_shared>> -> memref<16x128xf32, #tpu.memory_space<vmem_shared>>
        %dma_start3A_39 = arith.constant 0 : i32
        %dma_start3A_40 = tpu.memref_slice %arg10[%add3A_37, %dma_start3A_39] : memref<10000x128xf32, #tpu.memory_space<vmem_shared>> -> memref<16x128xf32, #tpu.memory_space<vmem_shared>>
        tpu.enqueue_dma source(%arg9 : memref<16x128xf32, #tpu.memory_space<vmem>>) target(%dma_start3A_40 : memref<16x128xf32, #tpu.memory_space<vmem_shared>>) target_semaphore(%run_scoped3A : memref<!tpu.dma_semaphore, #tpu.memory_space<semaphore_mem>>)
        %dma_wait3A = arith.constant 0 : i32
        %dma_wait3A_41 = tpu.memref_slice %arg10[%add3A_37, %dma_wait3A] : memref<10000x128xf32, #tpu.memory_space<vmem_shared>> -> memref<16x128xf32, #tpu.memory_space<vmem_shared>>
        %dma_wait3A_42 = arith.constant 0 : i32
        %dma_wait3A_43 = tpu.memref_slice %arg10[%add3A_37, %dma_wait3A_42] : memref<10000x128xf32, #tpu.memory_space<vmem_shared>> -> memref<16x128xf32, #tpu.memory_space<vmem_shared>>
        tpu.wait_dma2 semaphore(%run_scoped3A : memref<!tpu.dma_semaphore, #tpu.memory_space<semaphore_mem>>) src(%arg9 : memref<16x128xf32, #tpu.memory_space<vmem>>) dst(%dma_wait3A_43 : memref<16x128xf32, #tpu.memory_space<vmem_shared>>)
        tpu.yield
      }) : () -> ()
    }
    %scan3A_11 = arith.constant 39 : i32
    %eq3A = arith.constant 15 : i32
    %eq3A_12 = arith.cmpi eq, %arg1, %eq3A : i32
    %convert_element_type3A = arith.extui %eq3A_12 : i1 to i32
    %cond3A = arith.constant 0 : i32
    %cond3A_13 = arith.cmpi ne, %convert_element_type3A, %cond3A : i32
    scf.if %cond3A_13 {
      "tpu.region"() ({
        %run_scoped3A = tpu.sem_alloc : memref<!tpu.dma_semaphore, #tpu.memory_space<semaphore_mem>>
        %dma_start3A = arith.constant 9984 : i32
        %dma_start3A_32 = arith.constant 0 : i32
        %dma_start3A_33 = tpu.memref_slice %arg10[%dma_start3A, %dma_start3A_32] : memref<10000x128xf32, #tpu.memory_space<vmem_shared>> -> memref<16x128xf32, #tpu.memory_space<vmem_shared>>
        %dma_start3A_34 = arith.constant 9984 : i32
        %dma_start3A_35 = arith.constant 0 : i32
        %dma_start3A_36 = tpu.memref_slice %arg10[%dma_start3A_34, %dma_start3A_35] : memref<10000x128xf32, #tpu.memory_space<vmem_shared>> -> memref<16x128xf32, #tpu.memory_space<vmem_shared>>
        tpu.enqueue_dma source(%arg9 : memref<16x128xf32, #tpu.memory_space<vmem>>) target(%dma_start3A_36 : memref<16x128xf32, #tpu.memory_space<vmem_shared>>) target_semaphore(%run_scoped3A : memref<!tpu.dma_semaphore, #tpu.memory_space<semaphore_mem>>)
        %dma_wait3A = arith.constant 9984 : i32
        %dma_wait3A_37 = arith.constant 0 : i32
        %dma_wait3A_38 = tpu.memref_slice %arg10[%dma_wait3A, %dma_wait3A_37] : memref<10000x128xf32, #tpu.memory_space<vmem_shared>> -> memref<16x128xf32, #tpu.memory_space<vmem_shared>>
        %dma_wait3A_39 = arith.constant 9984 : i32
        %dma_wait3A_40 = arith.constant 0 : i32
        %dma_wait3A_41 = tpu.memref_slice %arg10[%dma_wait3A_39, %dma_wait3A_40] : memref<10000x128xf32, #tpu.memory_space<vmem_shared>> -> memref<16x128xf32, #tpu.memory_space<vmem_shared>>
        tpu.wait_dma2 semaphore(%run_scoped3A : memref<!tpu.dma_semaphore, #tpu.memory_space<semaphore_mem>>) src(%arg9 : memref<16x128xf32, #tpu.memory_space<vmem>>) dst(%dma_wait3A_41 : memref<16x128xf32, #tpu.memory_space<vmem_shared>>)
        tpu.yield
      }) : () -> ()
    } else {
    }
    %barrier3A = arith.constant 0 : index
    tpu.barrier barrier_id(%barrier3A)
    %mul3A_14 = arith.constant 10000 : i32
    %mul3A_15 = arith.muli %add3A, %mul3A_14 : i32
    "tpu.region"() ({
      %run_scoped3A = tpu.sem_alloc : memref<!tpu.dma_semaphore, #tpu.memory_space<semaphore_mem>>
      %dma_start3A = tpu.memref_slice %arg3[%mul3A_15] : memref<320000xi32, #tpu.memory_space<hbm>> -> memref<10000xi32, #tpu.memory_space<hbm>>
      %dma_start3A_32 = tpu.memref_slice %arg3[%mul3A_15] : memref<320000xi32, #tpu.memory_space<hbm>> -> memref<10000xi32, #tpu.memory_space<hbm>>
      tpu.enqueue_dma source(%dma_start3A_32 : memref<10000xi32, #tpu.memory_space<hbm>>) target(%arg6 : memref<10000xi32, #tpu.memory_space<vmem>>) target_semaphore(%run_scoped3A : memref<!tpu.dma_semaphore, #tpu.memory_space<semaphore_mem>>)
      %dma_wait3A = tpu.memref_slice %arg3[%mul3A_15] : memref<320000xi32, #tpu.memory_space<hbm>> -> memref<10000xi32, #tpu.memory_space<hbm>>
      %dma_wait3A_33 = tpu.memref_slice %arg3[%mul3A_15] : memref<320000xi32, #tpu.memory_space<hbm>> -> memref<10000xi32, #tpu.memory_space<hbm>>
      tpu.wait_dma2 semaphore(%run_scoped3A : memref<!tpu.dma_semaphore, #tpu.memory_space<semaphore_mem>>) src(%dma_wait3A_33 : memref<10000xi32, #tpu.memory_space<hbm>>) dst(%arg6 : memref<10000xi32, #tpu.memory_space<vmem>>)
      tpu.yield
    }) : () -> ()
    %scan3A_16 = arith.constant 0 : i32
    %scan3A_17 = arith.constant 0 : i32
    %scan3A_18 = arith.constant 125 : i32
    %scan3A_19 = arith.addi %scan3A_17, %scan3A_18 : i32
    %scan3A_20 = arith.constant 1 : i32
    scf.for %scan3A_32 = %scan3A_17 to %scan3A_19 step %scan3A_20  : i32 {
      %mul3A_33 = arith.constant 80 : i32
      %mul3A_34 = arith.muli %scan3A_32, %mul3A_33 : i32
      %mul3A_35 = arith.constant 10000 : i32
      %mul3A_36 = arith.muli %add3A, %mul3A_35 : i32
      %add3A_37 = arith.addi %mul3A_36, %mul3A_34 : i32
      "tpu.region"() ({
        %run_scoped3A = tpu.sem_alloc : memref<!tpu.dma_semaphore, #tpu.memory_space<semaphore_mem>>
        %dma_start3A_44 = tpu.memref_slice %arg4[%add3A_37] : memref<320000xi32, #tpu.memory_space<hbm>> -> memref<80xi32, #tpu.memory_space<hbm>>
        %dma_start3A_45 = tpu.memref_slice %arg4[%add3A_37] : memref<320000xi32, #tpu.memory_space<hbm>> -> memref<80xi32, #tpu.memory_space<hbm>>
        tpu.enqueue_dma source(%dma_start3A_45 : memref<80xi32, #tpu.memory_space<hbm>>) target(%arg7 : memref<80xi32, #tpu.memory_space<vmem>>) target_semaphore(%run_scoped3A : memref<!tpu.dma_semaphore, #tpu.memory_space<semaphore_mem>>)
        %dma_wait3A_46 = tpu.memref_slice %arg4[%add3A_37] : memref<320000xi32, #tpu.memory_space<hbm>> -> memref<80xi32, #tpu.memory_space<hbm>>
        %dma_wait3A_47 = tpu.memref_slice %arg4[%add3A_37] : memref<320000xi32, #tpu.memory_space<hbm>> -> memref<80xi32, #tpu.memory_space<hbm>>
        tpu.wait_dma2 semaphore(%run_scoped3A : memref<!tpu.dma_semaphore, #tpu.memory_space<semaphore_mem>>) src(%dma_wait3A_47 : memref<80xi32, #tpu.memory_space<hbm>>) dst(%arg7 : memref<80xi32, #tpu.memory_space<vmem>>)
        tpu.yield
      }) : () -> ()
      %dma_start3A = tpu.memref_slice %arg6[%mul3A_34] : memref<10000xi32, #tpu.memory_space<vmem>> -> memref<80xi32, #tpu.memory_space<vmem>>
      %dma_start3A_38 = arith.constant 0 : i32
      %dma_start3A_39 = arith.constant 0 : i32
      %dma_start3A_40 = tpu.memref_slice %arg2[%dma_start3A_38, %dma_start3A_39] : memref<10000x128xf32, #tpu.memory_space<hbm>> -> memref<10000x128xf32, #tpu.memory_space<hbm>>
      tpu.enqueue_indirect_dma source(%dma_start3A_40 : memref<10000x128xf32, #tpu.memory_space<hbm>>) target(%arg8 : memref<80x128xf32, #tpu.memory_space<vmem>>) offsets(%dma_start3A : memref<80xi32, #tpu.memory_space<vmem>>) semaphore(%arg11 : memref<!tpu.dma_semaphore, #tpu.memory_space<semaphore_mem>>)
      %dma_wait3A = tpu.memref_slice %arg6[%mul3A_34] : memref<10000xi32, #tpu.memory_space<vmem>> -> memref<80xi32, #tpu.memory_space<vmem>>
      %dma_wait3A_41 = arith.constant 0 : i32
      %dma_wait3A_42 = arith.constant 0 : i32
      %dma_wait3A_43 = tpu.memref_slice %arg2[%dma_wait3A_41, %dma_wait3A_42] : memref<10000x128xf32, #tpu.memory_space<hbm>> -> memref<10000x128xf32, #tpu.memory_space<hbm>>
      tpu.wait_indirect_dma semaphore(%arg11 : memref<!tpu.dma_semaphore, #tpu.memory_space<semaphore_mem>>) src(%dma_wait3A_43 : memref<10000x128xf32, #tpu.memory_space<hbm>>) dst(%arg8 : memref<80x128xf32, #tpu.memory_space<vmem>>)
      "tpu.region"() ({
        %run_scoped3A = tpu.sem_alloc : memref<!tpu.dma_semaphore, #tpu.memory_space<semaphore_mem>>
        %dma_start3A_44 = arith.constant 0 : i32
        %dma_start3A_45 = arith.constant 0 : i32
        %dma_start3A_46 = tpu.memref_slice %arg10[%dma_start3A_44, %dma_start3A_45] : memref<10000x128xf32, #tpu.memory_space<vmem_shared>> -> memref<10000x128xf32, #tpu.memory_space<vmem_shared>>
        tpu.enqueue_indirect_dma source(%arg8 : memref<80x128xf32, #tpu.memory_space<vmem>>) target(%dma_start3A_46 : memref<10000x128xf32, #tpu.memory_space<vmem_shared>>) offsets(%arg7 : memref<80xi32, #tpu.memory_space<vmem>>) semaphore(%run_scoped3A : memref<!tpu.dma_semaphore, #tpu.memory_space<semaphore_mem>>) {add = true}
        %dma_wait3A_47 = arith.constant 0 : i32
        %dma_wait3A_48 = arith.constant 0 : i32
        %dma_wait3A_49 = tpu.memref_slice %arg10[%dma_wait3A_47, %dma_wait3A_48] : memref<10000x128xf32, #tpu.memory_space<vmem_shared>> -> memref<10000x128xf32, #tpu.memory_space<vmem_shared>>
        tpu.wait_indirect_dma semaphore(%run_scoped3A : memref<!tpu.dma_semaphore, #tpu.memory_space<semaphore_mem>>) src(%arg8 : memref<80x128xf32, #tpu.memory_space<vmem>>) dst(%dma_wait3A_49 : memref<10000x128xf32, #tpu.memory_space<vmem_shared>>)
        tpu.yield
      }) : () -> ()
    }
    %scan3A_21 = arith.constant 125 : i32
    %barrier3A_22 = arith.constant 0 : index
    tpu.barrier barrier_id(%barrier3A_22)
    %mul3A_23 = arith.constant 624 : i32
    %mul3A_24 = arith.muli %arg1, %mul3A_23 : i32
    %mul3A_25 = arith.constant 624 : i32
    %mul3A_26 = arith.muli %arg1, %mul3A_25 : i32
    "tpu.region"() ({
      %run_scoped3A = tpu.sem_alloc : memref<!tpu.dma_semaphore, #tpu.memory_space<semaphore_mem>>
      %dma_start3A = arith.constant 0 : i32
      %dma_start3A_32 = tpu.memref_slice %arg5[%arg0, %mul3A_26, %dma_start3A] : memref<2x10000x128xf32, #tpu.memory_space<hbm>> -> memref<1x624x128xf32, #tpu.memory_space<hbm>>
      %dma_start3A_33 = tpu.memref_squeeze %dma_start3A_32 : memref<1x624x128xf32, #tpu.memory_space<hbm>> -> memref<624x128xf32, #tpu.memory_space<hbm>>
      %dma_start3A_34 = arith.constant 0 : i32
      %dma_start3A_35 = tpu.memref_slice %arg10[%mul3A_24, %dma_start3A_34] : memref<10000x128xf32, #tpu.memory_space<vmem_shared>> -> memref<624x128xf32, #tpu.memory_space<vmem_shared>>
      tpu.enqueue_dma source(%dma_start3A_35 : memref<624x128xf32, #tpu.memory_space<vmem_shared>>) target(%dma_start3A_33 : memref<624x128xf32, #tpu.memory_space<hbm>>) target_semaphore(%run_scoped3A : memref<!tpu.dma_semaphore, #tpu.memory_space<semaphore_mem>>)
      %dma_wait3A = arith.constant 0 : i32
      %dma_wait3A_36 = tpu.memref_slice %arg5[%arg0, %mul3A_26, %dma_wait3A] : memref<2x10000x128xf32, #tpu.memory_space<hbm>> -> memref<1x624x128xf32, #tpu.memory_space<hbm>>
      %dma_wait3A_37 = tpu.memref_squeeze %dma_wait3A_36 : memref<1x624x128xf32, #tpu.memory_space<hbm>> -> memref<624x128xf32, #tpu.memory_space<hbm>>
      %dma_wait3A_38 = arith.constant 0 : i32
      %dma_wait3A_39 = tpu.memref_slice %arg10[%mul3A_24, %dma_wait3A_38] : memref<10000x128xf32, #tpu.memory_space<vmem_shared>> -> memref<624x128xf32, #tpu.memory_space<vmem_shared>>
      tpu.wait_dma2 semaphore(%run_scoped3A : memref<!tpu.dma_semaphore, #tpu.memory_space<semaphore_mem>>) src(%dma_wait3A_39 : memref<624x128xf32, #tpu.memory_space<vmem_shared>>) dst(%dma_wait3A_37 : memref<624x128xf32, #tpu.memory_space<hbm>>)
      tpu.yield
    }) : () -> ()
    %eq3A_27 = arith.constant 15 : i32
    %eq3A_28 = arith.cmpi eq, %arg1, %eq3A_27 : i32
    %convert_element_type3A_29 = arith.extui %eq3A_28 : i1 to i32
    %cond3A_30 = arith.constant 0 : i32
    %cond3A_31 = arith.cmpi ne, %convert_element_type3A_29, %cond3A_30 : i32
    scf.if %cond3A_31 {
      "tpu.region"() ({
        %run_scoped3A = tpu.sem_alloc : memref<!tpu.dma_semaphore, #tpu.memory_space<semaphore_mem>>
        %dma_start3A = arith.constant 9984 : i32
        %dma_start3A_32 = arith.constant 0 : i32
        %dma_start3A_33 = tpu.memref_slice %arg5[%arg0, %dma_start3A, %dma_start3A_32] : memref<2x10000x128xf32, #tpu.memory_space<hbm>> -> memref<1x16x128xf32, #tpu.memory_space<hbm>>
        %dma_start3A_34 = tpu.memref_squeeze %dma_start3A_33 : memref<1x16x128xf32, #tpu.memory_space<hbm>> -> memref<16x128xf32, #tpu.memory_space<hbm>>
        %dma_start3A_35 = arith.constant 9984 : i32
        %dma_start3A_36 = arith.constant 0 : i32
        %dma_start3A_37 = tpu.memref_slice %arg10[%dma_start3A_35, %dma_start3A_36] : memref<10000x128xf32, #tpu.memory_space<vmem_shared>> -> memref<16x128xf32, #tpu.memory_space<vmem_shared>>
        tpu.enqueue_dma source(%dma_start3A_37 : memref<16x128xf32, #tpu.memory_space<vmem_shared>>) target(%dma_start3A_34 : memref<16x128xf32, #tpu.memory_space<hbm>>) target_semaphore(%run_scoped3A : memref<!tpu.dma_semaphore, #tpu.memory_space<semaphore_mem>>)
        %dma_wait3A = arith.constant 9984 : i32
        %dma_wait3A_38 = arith.constant 0 : i32
        %dma_wait3A_39 = tpu.memref_slice %arg5[%arg0, %dma_wait3A, %dma_wait3A_38] : memref<2x10000x128xf32, #tpu.memory_space<hbm>> -> memref<1x16x128xf32, #tpu.memory_space<hbm>>
        %dma_wait3A_40 = tpu.memref_squeeze %dma_wait3A_39 : memref<1x16x128xf32, #tpu.memory_space<hbm>> -> memref<16x128xf32, #tpu.memory_space<hbm>>
        %dma_wait3A_41 = arith.constant 9984 : i32
        %dma_wait3A_42 = arith.constant 0 : i32
        %dma_wait3A_43 = tpu.memref_slice %arg10[%dma_wait3A_41, %dma_wait3A_42] : memref<10000x128xf32, #tpu.memory_space<vmem_shared>> -> memref<16x128xf32, #tpu.memory_space<vmem_shared>>
        tpu.wait_dma2 semaphore(%run_scoped3A : memref<!tpu.dma_semaphore, #tpu.memory_space<semaphore_mem>>) src(%dma_wait3A_43 : memref<16x128xf32, #tpu.memory_space<vmem_shared>>) dst(%dma_wait3A_40 : memref<16x128xf32, #tpu.memory_space<hbm>>)
        tpu.yield
      }) : () -> ()
    } else {
    }
    return
  }
}

module attributes {stable_mosaic.version = 14 : i64} {
  func.func @_prescale_body(%arg0: memref<10000x128xf32, #tpu.memory_space<vmem>>, %arg1: memref<10000x1xf32, #tpu.memory_space<vmem>>, %arg2: memref<10000x128xf32, #tpu.memory_space<vmem>>) attributes {dimension_semantics = [], scalar_prefetch = 0 : i64, scratch_operands = 0 : i64, tpu.core_type = #tpu.core_type<tc>} {
    %get3A = arith.constant 0 : index
    %get3A_0 = arith.constant 0 : index
    %get3A_1 = vector.load %arg0[%get3A, %get3A_0] : memref<10000x128xf32, #tpu.memory_space<vmem>>, vector<10000x128xf32>
    %get3A_2 = arith.constant 0 : index
    %get3A_3 = arith.constant 0 : index
    %get3A_4 = vector.load %arg1[%get3A_2, %get3A_3] : memref<10000x1xf32, #tpu.memory_space<vmem>>, vector<10000x1xf32>
    %mul3A = vector.broadcast %get3A_4 : vector<10000x1xf32> to vector<10000x128xf32>
    %mul3A_5 = arith.mulf %get3A_1, %mul3A : vector<10000x128xf32>
    %swap3A = arith.constant 0 : index
    %swap3A_6 = arith.constant 0 : index
    %swap3A_7 = vector.load %arg2[%swap3A, %swap3A_6] : memref<10000x128xf32, #tpu.memory_space<vmem>>, vector<10000x128xf32>
    tpu.vector_store %arg2[%swap3A, %swap3A_6], %mul3A_5 {strides = array<i32>} : memref<10000x128xf32, #tpu.memory_space<vmem>>, vector<10000x128xf32>,
    return
  }
}

module attributes {stable_mosaic.version = 14 : i64} {
  func.func @_finish_body(%arg0: memref<2x10000x128xf32, #tpu.memory_space<vmem>>, %arg1: memref<128x128xf32, #tpu.memory_space<vmem>>, %arg2: memref<10000x1xf32, #tpu.memory_space<vmem>>, %arg3: memref<10000x128xf32, #tpu.memory_space<vmem>>) attributes {dimension_semantics = [], scalar_prefetch = 0 : i64, scratch_operands = 0 : i64, tpu.core_type = #tpu.core_type<tc>} {
    %get3A = arith.constant 0 : index
    %get3A_0 = arith.constant 0 : index
    %get3A_1 = arith.constant 0 : index
    %get3A_2 = vector.load %arg0[%get3A, %get3A_0, %get3A_1] : memref<2x10000x128xf32, #tpu.memory_space<vmem>>, vector<1x10000x128xf32>
    %get3A_3 = vector.shape_cast %get3A_2 : vector<1x10000x128xf32> to vector<10000x128xf32>
    %get3A_4 = arith.constant 1 : index
    %get3A_5 = arith.constant 0 : index
    %get3A_6 = arith.constant 0 : index
    %get3A_7 = vector.load %arg0[%get3A_4, %get3A_5, %get3A_6] : memref<2x10000x128xf32, #tpu.memory_space<vmem>>, vector<1x10000x128xf32>
    %get3A_8 = vector.shape_cast %get3A_7 : vector<1x10000x128xf32> to vector<10000x128xf32>
    %add3A = arith.addf %get3A_3, %get3A_8 : vector<10000x128xf32>
    %get3A_9 = arith.constant 0 : index
    %get3A_10 = arith.constant 0 : index
    %get3A_11 = vector.load %arg1[%get3A_9, %get3A_10] : memref<128x128xf32, #tpu.memory_space<vmem>>, vector<128x128xf32>
    %dot_general3A = arith.constant dense<0.000000e+00> : vector<10000x128xf32>
    %dot_general3A_12 = tpu.matmul %add3A, %get3A_11, %dot_general3A {dimension_numbers = #tpu.dot_dimension_numbers<[1], [0], [0], [1], [0, 0, 1, 1], [], []>, transpose_lhs_hint = false} : vector<10000x128xf32>, vector<128x128xf32>, vector<10000x128xf32> -> vector<10000x128xf32>
    %get3A_13 = arith.constant 0 : index
    %get3A_14 = arith.constant 0 : index
    %get3A_15 = vector.load %arg2[%get3A_13, %get3A_14] : memref<10000x1xf32, #tpu.memory_space<vmem>>, vector<10000x1xf32>
    %mul3A = vector.broadcast %get3A_15 : vector<10000x1xf32> to vector<10000x128xf32>
    %mul3A_16 = arith.mulf %dot_general3A_12, %mul3A : vector<10000x128xf32>
    %max3A = arith.constant 0.000000e+00 : f32
    %max3A_17 = vector.broadcast %max3A : f32 to vector<10000x128xf32>
    %max3A_18 = arith.maximumf %mul3A_16, %max3A_17 : vector<10000x128xf32>
    %swap3A = arith.constant 0 : index
    %swap3A_19 = arith.constant 0 : index
    %swap3A_20 = vector.load %arg3[%swap3A, %swap3A_19] : memref<10000x128xf32, #tpu.memory_space<vmem>>, vector<10000x128xf32>
    tpu.vector_store %arg3[%swap3A, %swap3A_19], %max3A_18 {strides = array<i32>} : memref<10000x128xf32, #tpu.memory_space<vmem>>, vector<10000x128xf32>,
    return
  }
}

</mosaic_0001>

<sc_bundles>
// kernel: kernel.5.cloned.1.call-start
scs
__scs_entry_jumppad:
0x0: {  	(pc) =	sbr.rel $0x88, $3  }
0x1: {  	(tag) =	ssettag $0x0;
	lr =	simm.s32 $0x1  }
0x2: {  	[smem:$0x3F9D] =	sst lr;
	_ =	strace $0xD0000000  }
0x3: {  	_ = 	snop  }
0x4: {  	_ = 	snop  }
0x5: {  	_ = 	snop  }
0x6: {  	_ = 	snop  }
0x7: {  	_ = 	snop  }
__scs_overlays_trampoline_lowered:
0x8: {  	[smem:$0x3FAC] =	sst s0  }
0x9: {  	[smem:$0x3FAD] =	sst s1  }
0xa: {  	[smem:$0x3FAE] =	sst s2  }
0xb: {  	[smem:$0x3FAF] =	sst s3  }
0xc: {  	[smem:$0x3FB0] =	sst s4  }
0xd: {  	[smem:$0x3FB1] =	sst s5  }
0xe: {  	[smem:$0x3FB2] =	sst s6  }
0xf: {  	[smem:$0x3FB3] =	sst s7  }
0x10: {  	[smem:$0x3FB4] =	sst s8  }
0x11: {  	[smem:$0x3FB5] =	sst s9;
	s0 =	simm.s32 @!p0 $0x0  }
0x12: {  	s1 =	sld [smem:$0x3F9B];
	s0 =	simm.s32 @p0 $0x1  }
0x13: {  	[smem:$0x3FB6] =	sst s0;
	s0 =	simm.s32 @!p1 $0x0  }
0x14: {  	s2 =	sld [smem:$0x3F9A];
	s0 =	simm.s32 @p1 $0x1  }
0x15: {  	[smem:$0x3FB7] =	sst s0;
	s0 =	simm.s32 @!p2 $0x0  }
0x16: {  	s3 =	sld [smem:$0x3FDB];
	s0 =	simm.s32 @p2 $0x1  }
0x17: {  	s4 =	simm.s32 $0x1BF5;
	[smem:$0x3FB9] =	sst s0  }
0x18: {  	s0 =	sld [smem:$0x3F9C];
	_ =	swait.ge [sflag:s4], $0x0  }
0x19: {  	s7 =	sld [smem:$0x3F9D]  }
0x1a: {  	s8 =	sadd.s32 $0xFFFFE003, lr  }
0x1b: {  	s9 =	sadd.s32 $0xFFFFFEF7, lr;
	s5 =	simm.s32 $0xFFFFFFFF;
	p2 =	slt.u32 s8, $0xFFFFF086  }
0x1c: {  	p1 =	slt.u32 s9, $0xF7A;
	s5 =	simm.s32 @!p2 $0x0  }
0x1d: {  	s5 =	simm.s32 @p1 $0x1;
	p0 =	seq.s32 s7, s2  }
0x1e: {  	s7 =	smul.u32 @!p0 $0xF7A, s2;
	p2 =	seq.s32 @!p0 s5, $0x0  }
0x1f: {  	s9 =	smul.u32 $0xF7A, s1;
	s8 =	simm.s32 @!p0 $0x1BF5;
	p2 =	por !p2, p0  }
0x20: {  	[sflag:s8] =	ssyncset.s32 @!p0 $0xFFFFF086;
	s6 =	sadd.s32 @!p0 s3, s7;
	s7 =	simm.s32 @!p0 $0x108  }
0x21: {  	s3 =	sadd.s32 s3, s9;
	s6 =	sadd.s32 @!p0 $0x88, s6;
	s7 =	simm.s32 @p2 $0x1082  }
0x22: {  	[simem:s7], [sflag:s8] =	dma.local @!p0 [hbm:s6], $0xF7A  }
0x23: {  	s9 =	sor.u32 $0xD0000000, s2;
	s6 =	simm.s32 $0x108;
	_ =	swait.ge @!p0 [sflag:s8], $0x0  }
0x24: {  	s3 =	sadd.s32 $0x88, s3;
	s6 =	simm.s32 @!p1 $0x1082;
	[sflag:s4] =	ssyncset.s32 $0xFFFFF086  }
0x25: {  	[simem:s6], [sflag:s4] =	dma.local [hbm:s3], $0xF7A  }
0x26: {  	[smem:$0x3F9D] =	sst s1;
	(tag) =	ssettag s2;
	_ =	strace s9  }
0x27: {  	s1 =	sld [smem:$0x3FAD]  }
0x28: {  	s2 =	sld [smem:$0x3FAE]  }
0x29: {  	s4 =	sld [smem:$0x3FB0]  }
0x2a: {  	p0 =	seq.s32 s5, $0x0;
	s5 =	sld [smem:$0x3FB1]  }
0x2b: {  	s6 =	sld [smem:$0x3FB2]  }
0x2c: {  	s7 =	sld [smem:$0x3FB3]  }
0x2d: {  	s3 =	simm.s32 $0x108;
	s8 =	sld [smem:$0x3FB4]  }
0x2e: {  	s3 =	simm.s32 @!p0 $0x1082;
	s9 =	sld [smem:$0x3FB5]  }
0x2f: {  	lr =	sadd.s32 s0, s3;
	s0 =	sld [smem:$0x3FAC]  }
0x30: {  	s3 =	sld [smem:$0x3FAF]  }
0x31: {  	[smem:$0x3FB8] =	sst s10  }
0x32: {  	s10 =	sld [smem:$0x3FB6];
	_ =	sdelay $0x3  }
0x33: {  	p0 =	seq.s32 s10, $0x1;
	s10 =	sld [smem:$0x3FB8];
	_ =	sdelay $0x3  }
0x34: {  	[smem:$0x3FB8] =	sst s10  }
0x35: {  	s10 =	sld [smem:$0x3FB7];
	_ =	sdelay $0x3  }
0x36: {  	p1 =	seq.s32 s10, $0x1;
	s10 =	sld [smem:$0x3FB8];
	_ =	sdelay $0x3  }
0x37: {  	[smem:$0x3FB8] =	sst s10  }
0x38: {  	s10 =	sld [smem:$0x3FB9]  }
0x39: {  	_ = 	snop;
	(pc) =	sbr.ind lr, $3  }
0x3a: {  	_ = 	snop  }
0x3b: {  	_ = 	snop  }
0x3c: {  	p2 =	seq.s32 s10, $0x1;
	s10 =	sld [smem:$0x3FB8]  }
0x3d: {  	_ =	shalt  }
0x3e: {  	_ =	shalt  }
0x3f: {  	_ =	shalt  }
0x40: {  	_ =	shalt  }
0x41: {  	_ =	shalt  }
0x42: {  	_ =	shalt  }
0x43: {  	_ =	shalt  }
0x44: {  	_ =	shalt  }
0x45: {  	_ =	shalt  }
0x46: {  	_ =	shalt  }
0x47: {  	_ =	shalt  }
0x48: {  	_ =	shalt  }
0x49: {  	_ =	shalt  }
0x4a: {  	_ =	shalt  }
0x4b: {  	_ =	shalt  }
0x4c: {  	_ =	shalt  }
0x4d: {  	_ =	shalt  }
0x4e: {  	_ =	shalt  }
0x4f: {  	_ =	shalt  }
0x50: {  	_ =	shalt  }
0x51: {  	_ =	shalt  }
0x52: {  	_ =	shalt  }
0x53: {  	_ =	shalt  }
0x54: {  	_ =	shalt  }
0x55: {  	_ =	shalt  }
0x56: {  	_ =	shalt  }
0x57: {  	_ =	shalt  }
0x58: {  	_ =	shalt  }
0x59: {  	_ =	shalt  }
0x5a: {  	_ =	shalt  }
0x5b: {  	_ =	shalt  }
0x5c: {  	_ =	shalt  }
0x5d: {  	_ =	shalt  }
0x5e: {  	_ =	shalt  }
0x5f: {  	_ =	shalt  }
0x60: {  	_ =	shalt  }
0x61: {  	_ =	shalt  }
0x62: {  	_ =	shalt  }
0x63: {  	_ =	shalt  }
0x64: {  	_ =	shalt  }
0x65: {  	_ =	shalt  }
0x66: {  	_ =	shalt  }
0x67: {  	_ =	shalt  }
0x68: {  	_ =	shalt  }
0x69: {  	_ =	shalt  }
0x6a: {  	_ =	shalt  }
0x6b: {  	_ =	shalt  }
0x6c: {  	_ =	shalt  }
0x6d: {  	_ =	shalt  }
0x6e: {  	_ =	shalt  }
0x6f: {  	_ =	shalt  }
0x70: {  	_ =	shalt  }
0x71: {  	_ =	shalt  }
0x72: {  	_ =	shalt  }
0x73: {  	_ =	shalt  }
0x74: {  	_ =	shalt  }
0x75: {  	_ =	shalt  }
0x76: {  	_ =	shalt  }
0x77: {  	_ =	shalt  }
0x78: {  	_ =	shalt  }
0x79: {  	_ =	shalt  }
0x7a: {  	_ =	shalt  }
0x7b: {  	_ =	shalt  }
0x7c: {  	_ =	shalt  }
0x7d: {  	_ =	shalt  }
0x7e: {  	_ =	shalt  }
0x7f: {  	_ =	shalt  }
0x80: {  	_ =	shalt  }
0x81: {  	_ =	shalt  }
0x82: {  	_ =	shalt  }
0x83: {  	_ =	shalt  }
0x84: {  	_ =	shalt  }
0x85: {  	_ =	shalt  }
0x86: {  	_ =	shalt  }
0x87: {  	_ =	shalt  }
.Lfunc_end0:
.L_simem_size_0:
called_computation_lowered:
.L_overlay_start_0:
0x88: {  	s2 =	sld [smem:$0x3FD9]  }
0x89: {  	s3 =	sld [smem:$0x3FFE];
	_ =	sdelay $0x1  }
0x8a: {  	s1 =	srdreg.scid  }
0x8b: {  	s0 =	sand.u32 $0x1, s1  }
0x8c: {  	s17 =	sshll.u32 s0, $0xA;
	s2 =	sadd.s32 s3, s2  }
0x8d: {  	s2 =	sadd.s32 s2, s17  }
0x8e: {  	[smem:$0x3FC4] =	sst s2  }
0x8f: {  	_ = 	snop  }
0x90: {  	s2 =	sld [smem:$0x3FD0];
	(tm) =	ssettm $0x1  }
0x91: {  	s18 =	sld [smem:$0x3FFB];
	_ =	sdelay $0x3  }
0x92: {  	_ =	strace s18  }
0x93: {  	s3 =	sld [smem:$0x3FFC];
	_ =	sdelay $0x3  }
0x94: {  	_ =	strace s3  }
0x95: {  	s3 =	sld [smem:$0x3FFD];
	_ =	sdelay $0x3  }
0x96: {  	_ =	strace s3  }
0x97: {  	_ =	strace $0x8FFFFFFF  }
0x98: {  	s19 =	sld [smem:$0x3FDB];
	_ =	sdelay $0x1  }
0x99: {  	s4 =	simm.s32 $_scs_section_size  }
0x9a: {  	s5 =	simm.s32 $_size__tile_overlayer_lowered;
	s6 =	simm.s32 $_tile_overlayer_lowered  }
0x9b: {  	s22 =	simm.s32 $0x1BFF;
	s21 =	sshll.u32 s6, $0x1;
	s3 =	sadd.s32 s4, s19  }
0x9c: {  	s7 =	simm.s32 $0x0;
	s20 =	sshll.u32 s5, $0x1;
	s5 =	sadd.s32 s21, s3  }
0x9d: {  	[timem:s7], [sflag:s22] =	dma.local [hbm:s5], s20  }
0x9e: {  	_ =	swait.ge [sflag:s22], s20  }
0x9f: {  	s4 =	ssub.s32 $0x0, s20;
	[sflag:s22] =	ssyncset.done $0x0  }
0xa0: {  	[sflag:s22] =	ssyncadd.s32 s4;
	_ =	sdelay $0x1  }
0xa1: {  	s23 =	simm.s32 $0x1B8B  }
0xa2: {  	_ =	swait.ge [sflag:s23], $0x1  }
0xa3: {  	[sflag:s23] =	ssyncset.done $0x0  }
0xa4: {  	s25 =	simm.s32 $0x1B8E;
	s24 =	sld [smem:$0x3FFE];
	[sflag:s23] =	ssyncadd.s32 $0xFFFFFFFF  }
0xa5: {  	s26 =	simm.s32 $execute0_lowered;
	[smem:$0x3FD2] =	sst s25  }
0xa6: {  	s5 =	sshll.u32 s26, $0x1;
	_ =	strace $0x80000046;
	[dreg:$0x1] =	wrdreg $0xFFFFFFFF  }
0xa7: {  	s28 =	simm.s32 $_size_execute0_lowered;
	s3 =	sadd.s32 s3, s5;
	[dreg:$0x0] =	wrdreg $0x0  }
0xa8: {  	s5 =	sshll.u32 s28, $0x1;
	[dreg:$0x2] =	wrdreg s3  }
0xa9: {  	[dreg:$0x3] =	wrdreg s5  }
0xaa: {  	[dreg:$0x4] =	wrdreg $0xC0  }
0xab: {  	_ =	task [dreg:s7], $0x5FFFF  }
0xac: {  	[dreg:$0x1] =	wrdreg $0xFFFFFFFF  }
0xad: {  	[dreg:$0x0] =	wrdreg $0x60  }
0xae: {  	[dreg:$0x2] =	wrdreg s2  }
0xaf: {  	[dreg:$0x3] =	wrdreg s24  }
0xb0: {  	[dreg:$0x4] =	wrdreg $0x58000  }
0xb1: {  	[dreg:$0x5] =	wrdreg $0x9  }
0xb2: {  	_ =	task.clear_ibuf [dreg:s7], $0x6FFFF;
	_ =	strace $0x90000046  }
0xb3: {  	s29 =	simm.s32 $0x9;
	_ =	strace $0x80000048  }
0xb4: {  	_ =	swait.ge [sflag:s29], $0x1  }
0xb5: {  	[sflag:s29] =	ssyncadd.s32 $0xFFFFFFFF  }
0xb6: {  	_ =	strace $0x90000048  }
0xb7: {  	_ =	sfence  }
0xb8: {  	s30 =	sld [smem:$0x0];
	_ =	sdelay $0x2  }
0xb9: {  	s31 =	sshll.u32 s1, $0xD;
	s1 =	sshrl.u32 s1, $0x2  }
0xba: {  	s3 =	sand.u32 $0x4000, s31;
	s1 =	sadd.s32 s1, s30  }
0xbb: {  	s0 =	sor.u32 s3, s0;
	s1 =	sshll.u32 s1, $0x11  }
0xbc: {  	s0 =	sor.u32 s1, s0  }
0xbd: {  	s0 =	sadd.s32 $0x8F2B, s0  }
0xbe: {  	[sflag:s0] =	ssyncadd.remote.s32 $0x1  }
0xbf: {  	_ =	sfence.sel $0xFFFF  }
0xc0: {  	[dreg:$0x0] =	wrdreg $0xFFFFFFFF;
	(pc) =	sbr.abs _section_cstart, $3  }
0xc1: {  	[dreg:$0x1] =	wrdreg $0xFFFFFFFF  }
0xc2: {  	_ =	task.clear_ibuf [dreg:s7], $0x2FFFF;
	_ =	strace $0x9FFFFFFF  }
0xc3: {  	(tm) =	ssettm $0x7FFFFFFF  }
tec
execute0_lowered:
.L_overlay_start_1:
0x0: {  	(tag) =	ssettag $0x1  }
0x1: {  	s2 =	rddreg [dreg:$0x0]  }
0x2: {  	s0 =	srdreg.scid;
	s6 =	rddreg [dreg:$0x1]  }
0x3: {  	s3 =	rddreg [dreg:$0x2];
	s5 =	sand.u32 $0x1, s0  }
0x4: {  	s4 =	simm.s32 $0x0;
	s0 =	stileid.u32;
	s8 =	smul.u32 $0x27100, s5  }
0x5: {  	s15 =	simm.s32 $0x50;
	s16 =	simm.s32 $0x2800;
	s9 =	smul.u32 $0x2710, s0  }
0x6: {  	s17 =	simm.s32 $0x1;
	s18 =	simm.s32 $0x0;
	s26 =	smul.u32 $0x4E000, s0  }
0x7: {  	[smem:$0x7FF] =	sst s4;
	s13 =	sadd.s32 $0x14200, s6;
	s10 =	smul.u32 $0x138800, s5  }
0x8: {  	s1 =	sshll.u32 s5, $0x4;
	s28 =	ssub.s32 $0x2, s5;
	s12 =	smul.u32 $0x13800, s0  }
0x9: {  	p0 =	sne.s32 s0, $0xF;
	s1 =	sor.u32 s0, s1;
	s29 =	sshrl.u32 s28, $0x1  }
0xa: {  	s7 =	smul.u32 $0x2710, s1;
	s1 =	rddreg [dreg:$0x3];
	_ =	strace $0x80000047  }
0xb: {  	s8 =	sadd.s32 s9, s8;
	s9 =	sshrl.u32 s26, $0x2;
	s14 =	ssub.s32 s28, s29  }
0xc: {  	s30 =	sadd.s32 s12, s10;
	s31 =	sshrl.u32 s10, $0x3;
	s12 =	simm.s32 $0x5000  }
0xd: {  	s8 =	sshrl.u32 s8, $0x3;
	s5 =	sadd.s32 s9, s3;
	s9 =	sadd.s32 s13, s31  }
0xe: {  	s10 =	smax.u32 s14, $0x1;
	s14 =	simm.s32 $0x2780;
	s7 =	sshrl.u32 s7, $0x3  }
0xf: {  	s11 =	sadd.s32 s8, s6;
	s8 =	sshrl.u32 s30, $0x3;
	s9 =	sadd.s32 $0x27000, s9  }
0x10: {  	s7 =	sadd.s32 s7, s6;
	s6 =	sadd.s32 $0x138000, s3;
	s8 =	sadd.s32 s13, s8  }
0x11: {  	v0 =	vimm.f32 $0.0e+00;
	s11 =	sadd.s32 $0x600, s11;
	s13 =	simm.s32 $0x2;
	s7 =	sadd.s32 $0xA400, s7  }
.LBB2_1:
0x12: {  	s19 =	simm.s32 $0x0;
	s20 =	simm.s32 $0x0  }
.LBB2_2:
0x13: {  	p1 =	sne.s32 s20, $0x1FC0  }
.Ltmp0:
0x14: {  	_ = 	snop;
	(pc) =	sbr.rel @p1 .LBB2_2-.Ltmp0, $4  }
0x15: {  	s21 =	sand.u32 $0x1E00, s20  }
0x16: {  	s22 =	sand.u32 $0x70, s19;
	s21 =	sshrl.u32 s21, $0x2  }
0x17: {  	s21 =	sor.u32 s22, s21  }
0x18: {  	s19 =	sadd.s32 $0x10, s19;
	s20 =	sadd.s32 $0x40, s20;
	[tilespmem:s21+$0x5000] =	vst v0  }
0x19: {  	s19 =	sadd.s32 $0x0, s5  }
0x1a: {  	[spmem:s19] =	stream.linear.scatter [tilespmem:s12], [sflag:$0x2], $0x800, $0x38;
	[tilespmem:$0x19080] =	vst v63  }
0x1b: {  	s19 =	simm.s32 $0x2000;
	_ =	swait.ge [sflag:s13], $0x800  }
.LBB2_4:
0x1c: {  	s20 =	sshra.s32 s19, $0x2;
	[sflag:s13] =	ssyncset.done $0x0;
	p1 =	sne.s32 s19, $0x4C000  }
.Ltmp1:
0x1d: {  	s20 =	sadd.s32 s20, s5;
	[sflag:s13] =	ssyncadd.s32 $0xFFFFF800;
	(pc) =	sbr.rel @p1 .LBB2_4-.Ltmp1, $3  }
0x1e: {  	[spmem:s20] =	stream.linear.scatter [tilespmem:s12], [sflag:$0x2], $0x800, $0x38;
	[tilespmem:$0x19080] =	vst v63  }
0x1f: {  	s19 =	sadd.s32 $0x2000, s19;
	_ =	sdelay $0x1  }
0x20: {  	_ =	swait.ge [sflag:s13], $0x800  }
0x21: {  	[sflag:s13] =	ssyncset.done $0x0  }
0x22: {  	s19 =	simm.s32 @!p0 $0x5000;
	[sflag:s13] =	ssyncadd.s32 $0xFFFFF800  }
0x23: {  	[spmem:s6] =	stream.linear.scatter @!p0 [tilespmem:s19], [sflag:$0x2], $0x800, $0x38;
	[tilespmem:$0x19080] =	vst v63  }
0x24: {  	s19 =	simm.s32 @!p0 $0x2  }
0x25: {  	_ =	swait.ge @!p0 [sflag:s19], $0x800  }
0x26: {  	[sflag:s19] =	ssyncset.done @!p0 $0x0  }
0x27: {  	[sflag:s19] =	ssyncadd.s32 @!p0 $0xFFFFF800  }
0x28: {  	s31 =	simm.s32 $0x0;
	[bflag:$0x0] =	sbarrier.arrive $0xFFFF  }
0x29: {  	[tilespmem:s31], [sflag:$0x2] =	stream.linear.gather [hbm4b:s7+s31], $0x2710, $0x38;
	[tilespmem:$0x19080] =	vst v63  }
0x2a: {  	_ =	swait.ge [sflag:s13], $0x2710  }
0x2b: {  	[sflag:s13] =	ssyncset.done $0x0  }
0x2c: {  	s20 =	sadd.s32 $0x0, s11;
	[sflag:s13] =	ssyncadd.s32 $0xFFFFD8F0  }
0x2d: {  	[tilespmem:s14], [sflag:$0x2] =	stream.linear.gather [hbm4b:s20+s4], $0x50, $0x38;
	[tilespmem:$0x19080] =	vst v63  }
0x2e: {  	_ =	swait.ge [sflag:s13], $0x50  }
0x2f: {  	[sflag:s13] =	ssyncset.done $0x0  }
0x30: {  	[sflag:s13] =	ssyncadd.s32 $0xFFFFFFB0  }
0x31: {  	[tilespmem:s16], [sflag:$0x1] =	stream.indirect.gather [hbm4b:s2+s15], $0x80, s31, s15, $0xb8;
	[tilespmem:$0x19080] =	vst v63  }
0x32: {  	_ =	swait.ge [sflag:s17], $0x2800  }
0x33: {  	[sflag:s17] =	ssyncset.done $0x0  }
0x34: {  	[sflag:s17] =	ssyncadd.s32 $0xFFFFD800  }
0x35: {  	[spmem:s3] =	stream.indirect.scatter.add.f32 [tilespmem:s16], [sflag:$0x2], $0x80, s14, s15, $0xb8;
	[tilespmem:$0x19080] =	vst v63  }
0x36: {  	s21 =	simm.s32 $0x14;
	_ =	swait.ge [sflag:s13], $0x2800  }
0x37: {  	s19 =	simm.s32 $0x50;
	s20 =	simm.s32 $0xA;
	[sflag:s13] =	ssyncset.done $0x0  }
.LBB2_6:
0x38: {  	s22 =	sadd.s32 s20, s11  }
0x39: {  	[sflag:s13] =	ssyncadd.s32 $0xFFFFD800;
	s20 =	smov.u32 s21;
	s23 =	sadd.s32 $0xA, s21  }
0x3a: {  	[tilespmem:s14], [sflag:$0x2] =	stream.linear.gather [hbm4b:s22+s4], $0x50, $0x38;
	[tilespmem:$0x19080] =	vst v63  }
0x3b: {  	p1 =	sne.s32 s21, $0x4D8;
	_ =	swait.ge [sflag:s13], $0x50  }
0x3c: {  	[sflag:s13] =	ssyncset.done $0x0  }
0x3d: {  	[sflag:s13] =	ssyncadd.s32 $0xFFFFFFB0  }
0x3e: {  	[tilespmem:s16], [sflag:$0x1] =	stream.indirect.gather [hbm4b:s2+s15], $0x80, s19, s15, $0xb8;
	[tilespmem:$0x19080] =	vst v63  }
0x3f: {  	_ =	swait.ge [sflag:s17], $0x2800  }
.Ltmp2:
0x40: {  	[sflag:s17] =	ssyncset.done $0x0;
	(pc) =	sbr.rel @p1 .LBB2_6-.Ltmp2, $4  }
0x41: {  	[sflag:s17] =	ssyncadd.s32 $0xFFFFD800  }
0x42: {  	[spmem:s3] =	stream.indirect.scatter.add.f32 [tilespmem:s16], [sflag:$0x2], $0x80, s14, s15, $0xb8;
	[tilespmem:$0x19080] =	vst v63  }
0x43: {  	_ =	swait.ge [sflag:s13], $0x2800  }
0x44: {  	s21 =	smov.u32 s23;
	s19 =	sadd.s32 $0x50, s19;
	[sflag:s13] =	ssyncset.done $0x0  }
0x45: {  	s20 =	sadd.s32 s20, s11;
	[sflag:s13] =	ssyncadd.s32 $0xFFFFD800  }
0x46: {  	[tilespmem:s14], [sflag:$0x2] =	stream.linear.gather [hbm4b:s20+s4], $0x50, $0x38;
	[tilespmem:$0x19080] =	vst v63  }
0x47: {  	_ =	swait.ge [sflag:s13], $0x50  }
0x48: {  	[sflag:s13] =	ssyncset.done $0x0  }
0x49: {  	[sflag:s13] =	ssyncadd.s32 $0xFFFFFFB0  }
0x4a: {  	[tilespmem:s16], [sflag:$0x1] =	stream.indirect.gather [hbm4b:s2+s15], $0x80, s19, s15, $0xb8;
	[tilespmem:$0x19080] =	vst v63  }
0x4b: {  	_ =	swait.ge [sflag:s17], $0x2800  }
0x4c: {  	[sflag:s17] =	ssyncset.done $0x0  }
0x4d: {  	[sflag:s17] =	ssyncadd.s32 $0xFFFFD800  }
0x4e: {  	[spmem:s3] =	stream.indirect.scatter.add.f32 [tilespmem:s16], [sflag:$0x2], $0x80, s14, s15, $0xb8;
	[tilespmem:$0x19080] =	vst v63  }
0x4f: {  	_ =	swait.ge [sflag:s13], $0x2800  }
0x50: {  	[sflag:s13] =	ssyncset.done $0x0  }
0x51: {  	s30 =	sshll.u32 s0, $0x6;
	[sflag:s13] =	ssyncadd.s32 $0xFFFFD800  }
0x52: {  	s31 =	sshrl.u32 s5, $0x3;
	s19 =	sor.u32 $0x1C02, s30;
	[bflag:$0x0] =	sbarrier.arrive $0xFFFF  }
0x53: {  	[hbm:s8], [sflag:s19] =	dma.local [spmem:s31], $0x2700  }
0x54: {  	_ =	swait.ge [sflag:s13], $0x2700  }
0x55: {  	s18 =	sadd.s32 $0x1, s18;
	[sflag:s13] =	ssyncset.done $0x0  }
0x56: {  	s20 =	sshrl.u32 @!p0 s6, $0x3;
	p1 =	sne.s32 s18, s10;
	[sflag:s13] =	ssyncadd.s32 $0xFFFFD900  }
0x57: {  	[hbm:s9], [sflag:s19] =	dma.local @!p0 [spmem:s20], $0x100  }
.Ltmp3:
0x58: {  	_ = 	snop;
	(pc) =	sbr.rel @p1 .LBB2_1-.Ltmp3, $4  }
0x59: {  	s19 =	simm.s32 @!p0 $0x2  }
0x5a: {  	_ =	swait.ge @!p0 [sflag:s19], $0x100  }
0x5b: {  	[sflag:s19] =	ssyncset.done @!p0 $0x0  }
0x5c: {  	[sflag:s19] =	ssyncadd.s32 @!p0 $0xFFFFFF00  }
0x5d: {  	_ =	sfence.sel $0x180000  }
0x5e: {  	[bflag:$0x0] =	sbarrier.arrive $0xFFFF  }
0x5f: {  	p0 =	sne.s32 s0, $0x0;
	_ =	strace $0x90000047  }
0x60: {  	s0 =	sadd.s32 @!p0 $0x100000, s1;
	[bflag:$0x2] =	sbarrier.arrive $0xFFFF  }
0x61: {  	[sflag:s0] =	ssyncadd.tile.s32 @!p0 $0x1;
	_ =	shalt  }
.Lfunc_end2:
_tile_overlayer_lowered:
.L_overlay_start_2:
0x62: {  	(tag) =	ssettag $0x2  }
0x63: {  	s0 =	rddreg [dreg:$0x0];
	s2 =	stileid.u32  }
0x64: {  	s1 =	rddreg [dreg:$0x1];
	p0 =	sne.s32 s2, $0x0  }
0x65: {  	s3 =	rddreg [dreg:$0x2];
	[bflag:$0x3] =	sbarrier.arrive $0xFFFF;
	s2 =	simm.s32 @!p0 $0x1C02  }
0x66: {  	[timem:s3], [sflag:s2] =	dma.local @!p0 [hbm:s0], s1  }
0x67: {  	s0 =	simm.s32 @!p0 $0x2  }
0x68: {  	_ =	swait.ge @!p0 [sflag:s0], s1  }
0x69: {  	s1 =	ssub.s32 @!p0 $0x0, s1;
	[sflag:s0] =	ssyncset.done @!p0 $0x0  }
0x6a: {  	[sflag:s0] =	ssyncadd.s32 @!p0 s1  }
0x6b: {  	[bflag:$0x3] =	sbarrier.arrive $0xFFFF  }
0x6c: {  	_ =	shalt  }

</sc_bundles>
